<compile_context>
chip_gen: v7x
topology: tpu7x:2x2x1
jax: 0.10.2.dev20260603
libtpu: 0.0.44.dev20260713+nightly
codegen_flags: <defaults>
</compile_context>

<pallas_src>
import jax
import jax.numpy as jnp
from jax.experimental import pallas as pl
from jax.experimental.pallas import tpu as pltpu

_BC = 64
_NPAIR = _BC // 2
_NIMG = 6144
_IMG = 3136
_GRID = _NIMG // _BC
_COUNT_M = float(_NIMG * _IMG)
_INF = 1 << 24

_ASHAPE = (_NPAIR, 56, 112)


def _threefry_bits(x2):
    ks0 = jnp.uint32(0)
    ks1 = jnp.uint32(42)
    ks2 = ks0 ^ ks1 ^ jnp.uint32(0x1BD11BDA)

    def rnds(v0, v1, rots):
        for r in rots:
            v0 = v0 + v1
            v1 = (v1 << r) | (v1 >> (32 - r))
            v1 = v0 ^ v1
        return v0, v1

    v0 = jnp.zeros_like(x2) + ks0
    v1 = x2 + ks1
    v0, v1 = rnds(v0, v1, (13, 15, 26, 6))
    v0 = v0 + ks1
    v1 = v1 + (ks2 + jnp.uint32(1))
    v0, v1 = rnds(v0, v1, (17, 29, 16, 24))
    v0 = v0 + ks2
    v1 = v1 + (ks0 + jnp.uint32(2))
    v0, v1 = rnds(v0, v1, (13, 15, 26, 6))
    v0 = v0 + ks0
    v1 = v1 + (ks1 + jnp.uint32(3))
    v0, v1 = rnds(v0, v1, (17, 29, 16, 24))
    v0 = v0 + ks1
    v1 = v1 + (ks2 + jnp.uint32(4))
    v0, v1 = rnds(v0, v1, (13, 15, 26, 6))
    v0 = v0 + ks2
    v1 = v1 + (ks0 + jnp.uint32(5))
    return v0 ^ v1


def _minpool7(m, lane56, sub):

    def row_shift(a, d):
        r = jnp.roll(a, d, axis=2)
        return jnp.where(lane56 < d, _INF, r)

    def col_shift(a, d):
        r = jnp.roll(a, d, axis=1)
        return jnp.where(sub < d, _INF, r)

    t = jnp.minimum(m, row_shift(m, 1))
    t = jnp.minimum(t, row_shift(t, 2))
    t = jnp.minimum(t, row_shift(t, 3))
    c = jnp.minimum(t, col_shift(t, 1))
    c = jnp.minimum(c, col_shift(c, 2))
    c = jnp.minimum(c, col_shift(c, 3))
    return c


def _mask_kernel(gint_ref, packed_ref, count_ref):
    i = pl.program_id(0)
    base = (i * (_BC * _IMG)).astype(jnp.uint32)
    c0 = jax.lax.broadcasted_iota(jnp.uint32, _ASHAPE, 0)
    c1 = jax.lax.broadcasted_iota(jnp.uint32, _ASHAPE, 1)
    c2 = jax.lax.broadcasted_iota(jnp.uint32, _ASHAPE, 2)
    odd = c2 >= jnp.uint32(56)
    idx = (base + c0 * jnp.uint32(2 * _IMG) + c1 * jnp.uint32(56) + c2
           + jnp.where(odd, jnp.uint32(_IMG - 56), jnp.uint32(0)))

    bits = _threefry_bits(idx)
    m = (bits >> 9).astype(jnp.int32)
    lane56 = jnp.where(odd, c2 - jnp.uint32(56), c2).astype(jnp.int32)
    sub = c1.astype(jnp.int32)
    mu = _minpool7(m, lane56, sub)
    keep = (mu >= gint_ref[0, 0]).astype(jnp.int32)

    shifts = jax.lax.broadcasted_iota(jnp.int32, _ASHAPE, 0)
    packed_ref[0] = jnp.sum(keep << shifts, axis=0)

    @pl.when(i == 0)
    def _():
        count_ref[0, 0] = 0

    count_ref[0, 0] += jnp.sum(keep)


def _scale_kernel(count_ref, x_ref, packed_ref, out_ref):
    scale = jnp.float32(_COUNT_M) / count_ref[0, 0].astype(jnp.float32)
    pp = packed_ref[0]
    even = pp[:, 0:56]
    odd = pp[:, 56:112]
    c0 = jax.lax.broadcasted_iota(jnp.int32, (_BC, 56, 56), 0)
    src = jnp.where((c0 & 1) == 0, even[None], odd[None])
    bits = (src >> (c0 >> 1)) & 1
    out_ref[...] = x_ref[...] * (bits.astype(jnp.float32) * scale)


def kernel(x, gamma):
    xf = x.reshape(_NIMG, 56, 56)
    gint = jnp.ceil(gamma * jnp.float32(8388608.0)).astype(jnp.int32).reshape(1, 1)

    packed, count = pl.pallas_call(
        _mask_kernel,
        grid=(_GRID,),
        in_specs=[pl.BlockSpec(memory_space=pltpu.SMEM)],
        out_specs=[
            pl.BlockSpec((1, 56, 112), lambda i: (i, 0, 0)),
            pl.BlockSpec(memory_space=pltpu.SMEM),
        ],
        out_shape=[
            jax.ShapeDtypeStruct((_GRID, 56, 112), jnp.int32),
            jax.ShapeDtypeStruct((1, 1), jnp.int32),
        ],
    )(gint)

    out = pl.pallas_call(
        _scale_kernel,
        grid=(_GRID,),
        in_specs=[
            pl.BlockSpec(memory_space=pltpu.SMEM),
            pl.BlockSpec((_BC, 56, 56), lambda i: (i, 0, 0)),
            pl.BlockSpec((1, 56, 112), lambda i: (i, 0, 0)),
        ],
        out_specs=pl.BlockSpec((_BC, 56, 56), lambda i: (i, 0, 0)),
        out_shape=jax.ShapeDtypeStruct((_NIMG, 56, 56), jnp.float32),
    )(count, xf, packed)

    return out.reshape(x.shape)

# --- scband reference (transcript-rebuilt; emitter-appended) ---
"""Pipeline reference for scband-drop-block-65103114272821 (READ-ONLY COPY).

The authoritative reference and input builder live on the scoring server;
editing this copy changes nothing except your own understanding.
"""

import jax, jax.numpy as jnp
import numpy as np

BLOCK_SIZE = 7


def setup_inputs(seed: int = 0) -> dict:
    key = jax.random.key(seed)
    kx, kg = jax.random.split(key)
    x = jax.random.normal(kx, (32, 192, 56, 56), dtype=jnp.float32)
    # gamma is the Bernoulli drop probability (scalar). Typical DropBlock gamma ~ 0.05-0.2.
    gamma = jax.random.uniform(kg, (), dtype=jnp.float32) * 0.2
    return {"x": x, "gamma": gamma}


def _compute_block_mask(mask, block_size):
    # Torch reference expands every nonzero seed (n,c,i,j) to the block
    # [i, i+bs) x [j, j+bs) clipped to the image, then clamps to 1.
    # Equivalently: block_mask[p,q] = max over mask[p-di, q-dj], di,dj in [0,bs),
    # i.e. a max-reduce-window with (bs-1, 0) low-side padding.
    if block_size <= 1:
        return mask
    bm = jax.lax.reduce_window(
        mask,
        -jnp.inf,
        jax.lax.max,
        window_dimensions=(1, 1, block_size, block_size),
        window_strides=(1, 1, 1, 1),
        padding=((0, 0), (0, 0), (block_size - 1, 0), (block_size - 1, 0)),
    )
    return jnp.clip(bm, 0.0, 1.0)


def reference(x, gamma):
    # training-mode DropBlock forward
    N, C, H, W = x.shape
    # Bernoulli(gamma) sample of shape (N, C, H, W); fixed key for determinism
    mkey = jax.random.key(42)
    u = jax.random.uniform(mkey, (N, C, H, W), dtype=jnp.float32)
    mask = (u < gamma).astype(x.dtype)
    block_mask = _compute_block_mask(mask, BLOCK_SIZE)
    inv_blk_mask = 1.0 - block_mask
    countM = N * C * H * W
    count_ones = jnp.sum(inv_blk_mask)
    return inv_blk_mask * x * (countM / count_ones)

if __name__ == "__main__":
    import jax
    _d = setup_inputs()
    print(jax.jit(kernel)(*tuple(_d.values())))

</pallas_src>

<mosaic_0001>
module attributes {stable_mosaic.version = 14 : i64} {
  func.func @_mask_kernel(%arg0: i32, %arg1: memref<1x1xi32, #tpu.memory_space<smem>>, %arg2: memref<1x56x112xi32, #tpu.memory_space<vmem>>, %arg3: memref<1x1xi32, #tpu.memory_space<smem>>) attributes {dimension_semantics = [#tpu.dimension_semantics<arbitrary>], iteration_bounds = array<i64: 96>, scalar_prefetch = 0 : i64, scratch_operands = 0 : i64, tpu.core_type = #tpu.core_type<tc>, window_params = [{transform_indices = @transform_0, window_bounds = array<i64: 1, 1>}, {transform_indices = @transform_1, window_bounds = array<i64: 1, 56, 112>}, {transform_indices = @transform_2, window_bounds = array<i64: 1, 1>}]} {
    %mul3A = arith.constant 200704 : i32
    %mul3A_0 = arith.muli %arg0, %mul3A : i32
    %iota3A = tpu.iota {dimensions = array<i32: 0>} : vector<32x56x112xi32>
    %iota3A_1 = tpu.iota {dimensions = array<i32: 1>} : vector<32x56x112xi32>
    %iota3A_2 = tpu.iota {dimensions = array<i32: 2>} : vector<32x56x112xi32>
    %ge3A = arith.constant 56 : i32
    %ge3A_3 = vector.broadcast %ge3A : i32 to vector<32x56x112xi32>
    %ge3A_4 = arith.cmpi uge, %iota3A_2, %ge3A_3 : vector<32x56x112xi32>
    %mul3A_5 = arith.constant 6272 : i32
    %mul3A_6 = vector.broadcast %mul3A_5 : i32 to vector<32x56x112xi32>
    %mul3A_7 = arith.muli %iota3A, %mul3A_6 : vector<32x56x112xi32>
    %add3A = vector.broadcast %mul3A_0 : i32 to vector<32x56x112xi32>
    %add3A_8 = arith.addi %add3A, %mul3A_7 : vector<32x56x112xi32>
    %mul3A_9 = arith.constant 56 : i32
    %mul3A_10 = vector.broadcast %mul3A_9 : i32 to vector<32x56x112xi32>
    %mul3A_11 = arith.muli %iota3A_1, %mul3A_10 : vector<32x56x112xi32>
    %add3A_12 = arith.addi %add3A_8, %mul3A_11 : vector<32x56x112xi32>
    %add3A_13 = arith.addi %add3A_12, %iota3A_2 : vector<32x56x112xi32>
    %jit3A = arith.constant 3080 : i32
    %jit3A_14 = arith.constant 0 : i32
    %broadcast_in_dim3A = vector.broadcast %jit3A : i32 to vector<32x56x112xi32>
    %broadcast_in_dim3A_15 = vector.broadcast %jit3A_14 : i32 to vector<32x56x112xi32>
    %select_n3A = arith.select %ge3A_4, %broadcast_in_dim3A, %broadcast_in_dim3A_15 : vector<32x56x112xi1>, vector<32x56x112xi32>
    %add3A_16 = arith.addi %add3A_13, %select_n3A : vector<32x56x112xi32>
    %xor3A = arith.constant 0 : i32
    %xor3A_17 = arith.constant 42 : i32
    %xor3A_18 = arith.xori %xor3A, %xor3A_17 : i32
    %xor3A_19 = arith.constant 466688986 : i32
    %xor3A_20 = arith.xori %xor3A_18, %xor3A_19 : i32
    %broadcast_in_dim3A_21 = arith.constant 0 : i32
    %broadcast_in_dim3A_22 = vector.broadcast %broadcast_in_dim3A_21 : i32 to vector<32x56x112xi32>
    %add3A_23 = arith.constant 0 : i32
    %add3A_24 = vector.broadcast %add3A_23 : i32 to vector<32x56x112xi32>
    %add3A_25 = arith.addi %broadcast_in_dim3A_22, %add3A_24 : vector<32x56x112xi32>
    %add3A_26 = arith.constant 42 : i32
    %add3A_27 = vector.broadcast %add3A_26 : i32 to vector<32x56x112xi32>
    %add3A_28 = arith.addi %add3A_16, %add3A_27 : vector<32x56x112xi32>
    %add3A_29 = arith.addi %add3A_25, %add3A_28 : vector<32x56x112xi32>
    %shift_left3A = arith.constant 13 : i32
    %shift_left3A_30 = vector.broadcast %shift_left3A : i32 to vector<32x56x112xi32>
    %shift_left3A_31 = arith.shli %add3A_28, %shift_left3A_30 : vector<32x56x112xi32>
    %shift_right_logical3A = arith.constant 19 : i32
    %shift_right_logical3A_32 = vector.broadcast %shift_right_logical3A : i32 to vector<32x56x112xi32>
    %shift_right_logical3A_33 = arith.shrui %add3A_28, %shift_right_logical3A_32 : vector<32x56x112xi32>
    %or3A = arith.ori %shift_left3A_31, %shift_right_logical3A_33 : vector<32x56x112xi32>
    %xor3A_34 = arith.xori %add3A_29, %or3A : vector<32x56x112xi32>
    %add3A_35 = arith.addi %add3A_29, %xor3A_34 : vector<32x56x112xi32>
    %shift_left3A_36 = arith.constant 15 : i32
    %shift_left3A_37 = vector.broadcast %shift_left3A_36 : i32 to vector<32x56x112xi32>
    %shift_left3A_38 = arith.shli %xor3A_34, %shift_left3A_37 : vector<32x56x112xi32>
    %shift_right_logical3A_39 = arith.constant 17 : i32
    %shift_right_logical3A_40 = vector.broadcast %shift_right_logical3A_39 : i32 to vector<32x56x112xi32>
    %shift_right_logical3A_41 = arith.shrui %xor3A_34, %shift_right_logical3A_40 : vector<32x56x112xi32>
    %or3A_42 = arith.ori %shift_left3A_38, %shift_right_logical3A_41 : vector<32x56x112xi32>
    %xor3A_43 = arith.xori %add3A_35, %or3A_42 : vector<32x56x112xi32>
    %add3A_44 = arith.addi %add3A_35, %xor3A_43 : vector<32x56x112xi32>
    %shift_left3A_45 = arith.constant 26 : i32
    %shift_left3A_46 = vector.broadcast %shift_left3A_45 : i32 to vector<32x56x112xi32>
    %shift_left3A_47 = arith.shli %xor3A_43, %shift_left3A_46 : vector<32x56x112xi32>
    %shift_right_logical3A_48 = arith.constant 6 : i32
    %shift_right_logical3A_49 = vector.broadcast %shift_right_logical3A_48 : i32 to vector<32x56x112xi32>
    %shift_right_logical3A_50 = arith.shrui %xor3A_43, %shift_right_logical3A_49 : vector<32x56x112xi32>
    %or3A_51 = arith.ori %shift_left3A_47, %shift_right_logical3A_50 : vector<32x56x112xi32>
    %xor3A_52 = arith.xori %add3A_44, %or3A_51 : vector<32x56x112xi32>
    %add3A_53 = arith.addi %add3A_44, %xor3A_52 : vector<32x56x112xi32>
    %shift_left3A_54 = arith.constant 6 : i32
    %shift_left3A_55 = vector.broadcast %shift_left3A_54 : i32 to vector<32x56x112xi32>
    %shift_left3A_56 = arith.shli %xor3A_52, %shift_left3A_55 : vector<32x56x112xi32>
    %shift_right_logical3A_57 = arith.constant 26 : i32
    %shift_right_logical3A_58 = vector.broadcast %shift_right_logical3A_57 : i32 to vector<32x56x112xi32>
    %shift_right_logical3A_59 = arith.shrui %xor3A_52, %shift_right_logical3A_58 : vector<32x56x112xi32>
    %or3A_60 = arith.ori %shift_left3A_56, %shift_right_logical3A_59 : vector<32x56x112xi32>
    %xor3A_61 = arith.xori %add3A_53, %or3A_60 : vector<32x56x112xi32>
    %add3A_62 = arith.constant 42 : i32
    %add3A_63 = vector.broadcast %add3A_62 : i32 to vector<32x56x112xi32>
    %add3A_64 = arith.addi %add3A_53, %add3A_63 : vector<32x56x112xi32>
    %add3A_65 = arith.constant 1 : i32
    %add3A_66 = arith.addi %xor3A_20, %add3A_65 : i32
    %add3A_67 = vector.broadcast %add3A_66 : i32 to vector<32x56x112xi32>
    %add3A_68 = arith.addi %xor3A_61, %add3A_67 : vector<32x56x112xi32>
    %add3A_69 = arith.addi %add3A_64, %add3A_68 : vector<32x56x112xi32>
    %shift_left3A_70 = arith.constant 17 : i32
    %shift_left3A_71 = vector.broadcast %shift_left3A_70 : i32 to vector<32x56x112xi32>
    %shift_left3A_72 = arith.shli %add3A_68, %shift_left3A_71 : vector<32x56x112xi32>
    %shift_right_logical3A_73 = arith.constant 15 : i32
    %shift_right_logical3A_74 = vector.broadcast %shift_right_logical3A_73 : i32 to vector<32x56x112xi32>
    %shift_right_logical3A_75 = arith.shrui %add3A_68, %shift_right_logical3A_74 : vector<32x56x112xi32>
    %or3A_76 = arith.ori %shift_left3A_72, %shift_right_logical3A_75 : vector<32x56x112xi32>
    %xor3A_77 = arith.xori %add3A_69, %or3A_76 : vector<32x56x112xi32>
    %add3A_78 = arith.addi %add3A_69, %xor3A_77 : vector<32x56x112xi32>
    %shift_left3A_79 = arith.constant 29 : i32
    %shift_left3A_80 = vector.broadcast %shift_left3A_79 : i32 to vector<32x56x112xi32>
    %shift_left3A_81 = arith.shli %xor3A_77, %shift_left3A_80 : vector<32x56x112xi32>
    %shift_right_logical3A_82 = arith.constant 3 : i32
    %shift_right_logical3A_83 = vector.broadcast %shift_right_logical3A_82 : i32 to vector<32x56x112xi32>
    %shift_right_logical3A_84 = arith.shrui %xor3A_77, %shift_right_logical3A_83 : vector<32x56x112xi32>
    %or3A_85 = arith.ori %shift_left3A_81, %shift_right_logical3A_84 : vector<32x56x112xi32>
    %xor3A_86 = arith.xori %add3A_78, %or3A_85 : vector<32x56x112xi32>
    %add3A_87 = arith.addi %add3A_78, %xor3A_86 : vector<32x56x112xi32>
    %shift_left3A_88 = arith.constant 16 : i32
    %shift_left3A_89 = vector.broadcast %shift_left3A_88 : i32 to vector<32x56x112xi32>
    %shift_left3A_90 = arith.shli %xor3A_86, %shift_left3A_89 : vector<32x56x112xi32>
    %shift_right_logical3A_91 = arith.constant 16 : i32
    %shift_right_logical3A_92 = vector.broadcast %shift_right_logical3A_91 : i32 to vector<32x56x112xi32>
    %shift_right_logical3A_93 = arith.shrui %xor3A_86, %shift_right_logical3A_92 : vector<32x56x112xi32>
    %or3A_94 = arith.ori %shift_left3A_90, %shift_right_logical3A_93 : vector<32x56x112xi32>
    %xor3A_95 = arith.xori %add3A_87, %or3A_94 : vector<32x56x112xi32>
    %add3A_96 = arith.addi %add3A_87, %xor3A_95 : vector<32x56x112xi32>
    %shift_left3A_97 = arith.constant 24 : i32
    %shift_left3A_98 = vector.broadcast %shift_left3A_97 : i32 to vector<32x56x112xi32>
    %shift_left3A_99 = arith.shli %xor3A_95, %shift_left3A_98 : vector<32x56x112xi32>
    %shift_right_logical3A_100 = arith.constant 8 : i32
    %shift_right_logical3A_101 = vector.broadcast %shift_right_logical3A_100 : i32 to vector<32x56x112xi32>
    %shift_right_logical3A_102 = arith.shrui %xor3A_95, %shift_right_logical3A_101 : vector<32x56x112xi32>
    %or3A_103 = arith.ori %shift_left3A_99, %shift_right_logical3A_102 : vector<32x56x112xi32>
    %xor3A_104 = arith.xori %add3A_96, %or3A_103 : vector<32x56x112xi32>
    %add3A_105 = vector.broadcast %xor3A_20 : i32 to vector<32x56x112xi32>
    %add3A_106 = arith.addi %add3A_96, %add3A_105 : vector<32x56x112xi32>
    %add3A_107 = arith.constant 0 : i32
    %add3A_108 = arith.constant 2 : i32
    %add3A_109 = arith.addi %add3A_107, %add3A_108 : i32
    %add3A_110 = vector.broadcast %add3A_109 : i32 to vector<32x56x112xi32>
    %add3A_111 = arith.addi %xor3A_104, %add3A_110 : vector<32x56x112xi32>
    %add3A_112 = arith.addi %add3A_106, %add3A_111 : vector<32x56x112xi32>
    %shift_left3A_113 = arith.constant 13 : i32
    %shift_left3A_114 = vector.broadcast %shift_left3A_113 : i32 to vector<32x56x112xi32>
    %shift_left3A_115 = arith.shli %add3A_111, %shift_left3A_114 : vector<32x56x112xi32>
    %shift_right_logical3A_116 = arith.constant 19 : i32
    %shift_right_logical3A_117 = vector.broadcast %shift_right_logical3A_116 : i32 to vector<32x56x112xi32>
    %shift_right_logical3A_118 = arith.shrui %add3A_111, %shift_right_logical3A_117 : vector<32x56x112xi32>
    %or3A_119 = arith.ori %shift_left3A_115, %shift_right_logical3A_118 : vector<32x56x112xi32>
    %xor3A_120 = arith.xori %add3A_112, %or3A_119 : vector<32x56x112xi32>
    %add3A_121 = arith.addi %add3A_112, %xor3A_120 : vector<32x56x112xi32>
    %shift_left3A_122 = arith.constant 15 : i32
    %shift_left3A_123 = vector.broadcast %shift_left3A_122 : i32 to vector<32x56x112xi32>
    %shift_left3A_124 = arith.shli %xor3A_120, %shift_left3A_123 : vector<32x56x112xi32>
    %shift_right_logical3A_125 = arith.constant 17 : i32
    %shift_right_logical3A_126 = vector.broadcast %shift_right_logical3A_125 : i32 to vector<32x56x112xi32>
    %shift_right_logical3A_127 = arith.shrui %xor3A_120, %shift_right_logical3A_126 : vector<32x56x112xi32>
    %or3A_128 = arith.ori %shift_left3A_124, %shift_right_logical3A_127 : vector<32x56x112xi32>
    %xor3A_129 = arith.xori %add3A_121, %or3A_128 : vector<32x56x112xi32>
    %add3A_130 = arith.addi %add3A_121, %xor3A_129 : vector<32x56x112xi32>
    %shift_left3A_131 = arith.constant 26 : i32
    %shift_left3A_132 = vector.broadcast %shift_left3A_131 : i32 to vector<32x56x112xi32>
    %shift_left3A_133 = arith.shli %xor3A_129, %shift_left3A_132 : vector<32x56x112xi32>
    %shift_right_logical3A_134 = arith.constant 6 : i32
    %shift_right_logical3A_135 = vector.broadcast %shift_right_logical3A_134 : i32 to vector<32x56x112xi32>
    %shift_right_logical3A_136 = arith.shrui %xor3A_129, %shift_right_logical3A_135 : vector<32x56x112xi32>
    %or3A_137 = arith.ori %shift_left3A_133, %shift_right_logical3A_136 : vector<32x56x112xi32>
    %xor3A_138 = arith.xori %add3A_130, %or3A_137 : vector<32x56x112xi32>
    %add3A_139 = arith.addi %add3A_130, %xor3A_138 : vector<32x56x112xi32>
    %shift_left3A_140 = arith.constant 6 : i32
    %shift_left3A_141 = vector.broadcast %shift_left3A_140 : i32 to vector<32x56x112xi32>
    %shift_left3A_142 = arith.shli %xor3A_138, %shift_left3A_141 : vector<32x56x112xi32>
    %shift_right_logical3A_143 = arith.constant 26 : i32
    %shift_right_logical3A_144 = vector.broadcast %shift_right_logical3A_143 : i32 to vector<32x56x112xi32>
    %shift_right_logical3A_145 = arith.shrui %xor3A_138, %shift_right_logical3A_144 : vector<32x56x112xi32>
    %or3A_146 = arith.ori %shift_left3A_142, %shift_right_logical3A_145 : vector<32x56x112xi32>
    %xor3A_147 = arith.xori %add3A_139, %or3A_146 : vector<32x56x112xi32>
    %add3A_148 = arith.constant 0 : i32
    %add3A_149 = vector.broadcast %add3A_148 : i32 to vector<32x56x112xi32>
    %add3A_150 = arith.addi %add3A_139, %add3A_149 : vector<32x56x112xi32>
    %add3A_151 = arith.constant 42 : i32
    %add3A_152 = arith.constant 3 : i32
    %add3A_153 = arith.addi %add3A_151, %add3A_152 : i32
    %add3A_154 = vector.broadcast %add3A_153 : i32 to vector<32x56x112xi32>
    %add3A_155 = arith.addi %xor3A_147, %add3A_154 : vector<32x56x112xi32>
    %add3A_156 = arith.addi %add3A_150, %add3A_155 : vector<32x56x112xi32>
    %shift_left3A_157 = arith.constant 17 : i32
    %shift_left3A_158 = vector.broadcast %shift_left3A_157 : i32 to vector<32x56x112xi32>
    %shift_left3A_159 = arith.shli %add3A_155, %shift_left3A_158 : vector<32x56x112xi32>
    %shift_right_logical3A_160 = arith.constant 15 : i32
    %shift_right_logical3A_161 = vector.broadcast %shift_right_logical3A_160 : i32 to vector<32x56x112xi32>
    %shift_right_logical3A_162 = arith.shrui %add3A_155, %shift_right_logical3A_161 : vector<32x56x112xi32>
    %or3A_163 = arith.ori %shift_left3A_159, %shift_right_logical3A_162 : vector<32x56x112xi32>
    %xor3A_164 = arith.xori %add3A_156, %or3A_163 : vector<32x56x112xi32>
    %add3A_165 = arith.addi %add3A_156, %xor3A_164 : vector<32x56x112xi32>
    %shift_left3A_166 = arith.constant 29 : i32
    %shift_left3A_167 = vector.broadcast %shift_left3A_166 : i32 to vector<32x56x112xi32>
    %shift_left3A_168 = arith.shli %xor3A_164, %shift_left3A_167 : vector<32x56x112xi32>
    %shift_right_logical3A_169 = arith.constant 3 : i32
    %shift_right_logical3A_170 = vector.broadcast %shift_right_logical3A_169 : i32 to vector<32x56x112xi32>
    %shift_right_logical3A_171 = arith.shrui %xor3A_164, %shift_right_logical3A_170 : vector<32x56x112xi32>
    %or3A_172 = arith.ori %shift_left3A_168, %shift_right_logical3A_171 : vector<32x56x112xi32>
    %xor3A_173 = arith.xori %add3A_165, %or3A_172 : vector<32x56x112xi32>
    %add3A_174 = arith.addi %add3A_165, %xor3A_173 : vector<32x56x112xi32>
    %shift_left3A_175 = arith.constant 16 : i32
    %shift_left3A_176 = vector.broadcast %shift_left3A_175 : i32 to vector<32x56x112xi32>
    %shift_left3A_177 = arith.shli %xor3A_173, %shift_left3A_176 : vector<32x56x112xi32>
    %shift_right_logical3A_178 = arith.constant 16 : i32
    %shift_right_logical3A_179 = vector.broadcast %shift_right_logical3A_178 : i32 to vector<32x56x112xi32>
    %shift_right_logical3A_180 = arith.shrui %xor3A_173, %shift_right_logical3A_179 : vector<32x56x112xi32>
    %or3A_181 = arith.ori %shift_left3A_177, %shift_right_logical3A_180 : vector<32x56x112xi32>
    %xor3A_182 = arith.xori %add3A_174, %or3A_181 : vector<32x56x112xi32>
    %add3A_183 = arith.addi %add3A_174, %xor3A_182 : vector<32x56x112xi32>
    %shift_left3A_184 = arith.constant 24 : i32
    %shift_left3A_185 = vector.broadcast %shift_left3A_184 : i32 to vector<32x56x112xi32>
    %shift_left3A_186 = arith.shli %xor3A_182, %shift_left3A_185 : vector<32x56x112xi32>
    %shift_right_logical3A_187 = arith.constant 8 : i32
    %shift_right_logical3A_188 = vector.broadcast %shift_right_logical3A_187 : i32 to vector<32x56x112xi32>
    %shift_right_logical3A_189 = arith.shrui %xor3A_182, %shift_right_logical3A_188 : vector<32x56x112xi32>
    %or3A_190 = arith.ori %shift_left3A_186, %shift_right_logical3A_189 : vector<32x56x112xi32>
    %xor3A_191 = arith.xori %add3A_183, %or3A_190 : vector<32x56x112xi32>
    %add3A_192 = arith.constant 42 : i32
    %add3A_193 = vector.broadcast %add3A_192 : i32 to vector<32x56x112xi32>
    %add3A_194 = arith.addi %add3A_183, %add3A_193 : vector<32x56x112xi32>
    %add3A_195 = arith.constant 4 : i32
    %add3A_196 = arith.addi %xor3A_20, %add3A_195 : i32
    %add3A_197 = vector.broadcast %add3A_196 : i32 to vector<32x56x112xi32>
    %add3A_198 = arith.addi %xor3A_191, %add3A_197 : vector<32x56x112xi32>
    %add3A_199 = arith.addi %add3A_194, %add3A_198 : vector<32x56x112xi32>
    %shift_left3A_200 = arith.constant 13 : i32
    %shift_left3A_201 = vector.broadcast %shift_left3A_200 : i32 to vector<32x56x112xi32>
    %shift_left3A_202 = arith.shli %add3A_198, %shift_left3A_201 : vector<32x56x112xi32>
    %shift_right_logical3A_203 = arith.constant 19 : i32
    %shift_right_logical3A_204 = vector.broadcast %shift_right_logical3A_203 : i32 to vector<32x56x112xi32>
    %shift_right_logical3A_205 = arith.shrui %add3A_198, %shift_right_logical3A_204 : vector<32x56x112xi32>
    %or3A_206 = arith.ori %shift_left3A_202, %shift_right_logical3A_205 : vector<32x56x112xi32>
    %xor3A_207 = arith.xori %add3A_199, %or3A_206 : vector<32x56x112xi32>
    %add3A_208 = arith.addi %add3A_199, %xor3A_207 : vector<32x56x112xi32>
    %shift_left3A_209 = arith.constant 15 : i32
    %shift_left3A_210 = vector.broadcast %shift_left3A_209 : i32 to vector<32x56x112xi32>
    %shift_left3A_211 = arith.shli %xor3A_207, %shift_left3A_210 : vector<32x56x112xi32>
    %shift_right_logical3A_212 = arith.constant 17 : i32
    %shift_right_logical3A_213 = vector.broadcast %shift_right_logical3A_212 : i32 to vector<32x56x112xi32>
    %shift_right_logical3A_214 = arith.shrui %xor3A_207, %shift_right_logical3A_213 : vector<32x56x112xi32>
    %or3A_215 = arith.ori %shift_left3A_211, %shift_right_logical3A_214 : vector<32x56x112xi32>
    %xor3A_216 = arith.xori %add3A_208, %or3A_215 : vector<32x56x112xi32>
    %add3A_217 = arith.addi %add3A_208, %xor3A_216 : vector<32x56x112xi32>
    %shift_left3A_218 = arith.constant 26 : i32
    %shift_left3A_219 = vector.broadcast %shift_left3A_218 : i32 to vector<32x56x112xi32>
    %shift_left3A_220 = arith.shli %xor3A_216, %shift_left3A_219 : vector<32x56x112xi32>
    %shift_right_logical3A_221 = arith.constant 6 : i32
    %shift_right_logical3A_222 = vector.broadcast %shift_right_logical3A_221 : i32 to vector<32x56x112xi32>
    %shift_right_logical3A_223 = arith.shrui %xor3A_216, %shift_right_logical3A_222 : vector<32x56x112xi32>
    %or3A_224 = arith.ori %shift_left3A_220, %shift_right_logical3A_223 : vector<32x56x112xi32>
    %xor3A_225 = arith.xori %add3A_217, %or3A_224 : vector<32x56x112xi32>
    %add3A_226 = arith.addi %add3A_217, %xor3A_225 : vector<32x56x112xi32>
    %shift_left3A_227 = arith.constant 6 : i32
    %shift_left3A_228 = vector.broadcast %shift_left3A_227 : i32 to vector<32x56x112xi32>
    %shift_left3A_229 = arith.shli %xor3A_225, %shift_left3A_228 : vector<32x56x112xi32>
    %shift_right_logical3A_230 = arith.constant 26 : i32
    %shift_right_logical3A_231 = vector.broadcast %shift_right_logical3A_230 : i32 to vector<32x56x112xi32>
    %shift_right_logical3A_232 = arith.shrui %xor3A_225, %shift_right_logical3A_231 : vector<32x56x112xi32>
    %or3A_233 = arith.ori %shift_left3A_229, %shift_right_logical3A_232 : vector<32x56x112xi32>
    %xor3A_234 = arith.xori %add3A_226, %or3A_233 : vector<32x56x112xi32>
    %add3A_235 = vector.broadcast %xor3A_20 : i32 to vector<32x56x112xi32>
    %add3A_236 = arith.addi %add3A_226, %add3A_235 : vector<32x56x112xi32>
    %add3A_237 = arith.constant 0 : i32
    %add3A_238 = arith.constant 5 : i32
    %add3A_239 = arith.addi %add3A_237, %add3A_238 : i32
    %add3A_240 = vector.broadcast %add3A_239 : i32 to vector<32x56x112xi32>
    %add3A_241 = arith.addi %xor3A_234, %add3A_240 : vector<32x56x112xi32>
    %xor3A_242 = arith.xori %add3A_236, %add3A_241 : vector<32x56x112xi32>
    %shift_right_logical3A_243 = arith.constant 9 : i32
    %shift_right_logical3A_244 = vector.broadcast %shift_right_logical3A_243 : i32 to vector<32x56x112xi32>
    %shift_right_logical3A_245 = arith.shrui %xor3A_242, %shift_right_logical3A_244 : vector<32x56x112xi32>
    %sub3A = arith.constant 56 : i32
    %sub3A_246 = vector.broadcast %sub3A : i32 to vector<32x56x112xi32>
    %sub3A_247 = arith.subi %iota3A_2, %sub3A_246 : vector<32x56x112xi32>
    %select_n3A_248 = arith.select %ge3A_4, %sub3A_247, %iota3A_2 : vector<32x56x112xi1>, vector<32x56x112xi32>
    %slice3A = vector.extract_strided_slice %shift_right_logical3A_245 {offsets = [0, 0, 111], sizes = [32, 56, 1], strides = [1, 1, 1]} : vector<32x56x112xi32> to vector<32x56x1xi32>
    %slice3A_249 = vector.extract_strided_slice %shift_right_logical3A_245 {offsets = [0, 0, 0], sizes = [32, 56, 111], strides = [1, 1, 1]} : vector<32x56x112xi32> to vector<32x56x111xi32>
    %concatenate3A = tpu.concatenate %slice3A, %slice3A_249 in 2 : vector<32x56x1xi32>, vector<32x56x111xi32> -> vector<32x56x112xi32>
    %lt3A = arith.constant 1 : i32
    %lt3A_250 = vector.broadcast %lt3A : i32 to vector<32x56x112xi32>
    %lt3A_251 = arith.cmpi slt, %select_n3A_248, %lt3A_250 : vector<32x56x112xi32>
    %jit3A_252 = arith.constant 16777216 : i32
    %broadcast_in_dim3A_253 = vector.broadcast %jit3A_252 : i32 to vector<32x56x112xi32>
    %select_n3A_254 = arith.select %lt3A_251, %broadcast_in_dim3A_253, %concatenate3A : vector<32x56x112xi1>, vector<32x56x112xi32>
    %min3A = arith.minsi %shift_right_logical3A_245, %select_n3A_254 : vector<32x56x112xi32>
    %slice3A_255 = vector.extract_strided_slice %min3A {offsets = [0, 0, 110], sizes = [32, 56, 2], strides = [1, 1, 1]} : vector<32x56x112xi32> to vector<32x56x2xi32>
    %slice3A_256 = vector.extract_strided_slice %min3A {offsets = [0, 0, 0], sizes = [32, 56, 110], strides = [1, 1, 1]} : vector<32x56x112xi32> to vector<32x56x110xi32>
    %concatenate3A_257 = tpu.concatenate %slice3A_255, %slice3A_256 in 2 : vector<32x56x2xi32>, vector<32x56x110xi32> -> vector<32x56x112xi32>
    %lt3A_258 = arith.constant 2 : i32
    %lt3A_259 = vector.broadcast %lt3A_258 : i32 to vector<32x56x112xi32>
    %lt3A_260 = arith.cmpi slt, %select_n3A_248, %lt3A_259 : vector<32x56x112xi32>
    %jit3A_261 = arith.constant 16777216 : i32
    %broadcast_in_dim3A_262 = vector.broadcast %jit3A_261 : i32 to vector<32x56x112xi32>
    %select_n3A_263 = arith.select %lt3A_260, %broadcast_in_dim3A_262, %concatenate3A_257 : vector<32x56x112xi1>, vector<32x56x112xi32>
    %min3A_264 = arith.minsi %min3A, %select_n3A_263 : vector<32x56x112xi32>
    %slice3A_265 = vector.extract_strided_slice %min3A_264 {offsets = [0, 0, 109], sizes = [32, 56, 3], strides = [1, 1, 1]} : vector<32x56x112xi32> to vector<32x56x3xi32>
    %slice3A_266 = vector.extract_strided_slice %min3A_264 {offsets = [0, 0, 0], sizes = [32, 56, 109], strides = [1, 1, 1]} : vector<32x56x112xi32> to vector<32x56x109xi32>
    %concatenate3A_267 = tpu.concatenate %slice3A_265, %slice3A_266 in 2 : vector<32x56x3xi32>, vector<32x56x109xi32> -> vector<32x56x112xi32>
    %lt3A_268 = arith.constant 3 : i32
    %lt3A_269 = vector.broadcast %lt3A_268 : i32 to vector<32x56x112xi32>
    %lt3A_270 = arith.cmpi slt, %select_n3A_248, %lt3A_269 : vector<32x56x112xi32>
    %jit3A_271 = arith.constant 16777216 : i32
    %broadcast_in_dim3A_272 = vector.broadcast %jit3A_271 : i32 to vector<32x56x112xi32>
    %select_n3A_273 = arith.select %lt3A_270, %broadcast_in_dim3A_272, %concatenate3A_267 : vector<32x56x112xi1>, vector<32x56x112xi32>
    %min3A_274 = arith.minsi %min3A_264, %select_n3A_273 : vector<32x56x112xi32>
    %slice3A_275 = vector.extract_strided_slice %min3A_274 {offsets = [0, 55, 0], sizes = [32, 1, 112], strides = [1, 1, 1]} : vector<32x56x112xi32> to vector<32x1x112xi32>
    %slice3A_276 = vector.extract_strided_slice %min3A_274 {offsets = [0, 0, 0], sizes = [32, 55, 112], strides = [1, 1, 1]} : vector<32x56x112xi32> to vector<32x55x112xi32>
    %concatenate3A_277 = tpu.concatenate %slice3A_275, %slice3A_276 in 1 : vector<32x1x112xi32>, vector<32x55x112xi32> -> vector<32x56x112xi32>
    %lt3A_278 = arith.constant 1 : i32
    %lt3A_279 = vector.broadcast %lt3A_278 : i32 to vector<32x56x112xi32>
    %lt3A_280 = arith.cmpi slt, %iota3A_1, %lt3A_279 : vector<32x56x112xi32>
    %jit3A_281 = arith.constant 16777216 : i32
    %broadcast_in_dim3A_282 = vector.broadcast %jit3A_281 : i32 to vector<32x56x112xi32>
    %select_n3A_283 = arith.select %lt3A_280, %broadcast_in_dim3A_282, %concatenate3A_277 : vector<32x56x112xi1>, vector<32x56x112xi32>
    %min3A_284 = arith.minsi %min3A_274, %select_n3A_283 : vector<32x56x112xi32>
    %slice3A_285 = vector.extract_strided_slice %min3A_284 {offsets = [0, 54, 0], sizes = [32, 2, 112], strides = [1, 1, 1]} : vector<32x56x112xi32> to vector<32x2x112xi32>
    %slice3A_286 = vector.extract_strided_slice %min3A_284 {offsets = [0, 0, 0], sizes = [32, 54, 112], strides = [1, 1, 1]} : vector<32x56x112xi32> to vector<32x54x112xi32>
    %concatenate3A_287 = tpu.concatenate %slice3A_285, %slice3A_286 in 1 : vector<32x2x112xi32>, vector<32x54x112xi32> -> vector<32x56x112xi32>
    %lt3A_288 = arith.constant 2 : i32
    %lt3A_289 = vector.broadcast %lt3A_288 : i32 to vector<32x56x112xi32>
    %lt3A_290 = arith.cmpi slt, %iota3A_1, %lt3A_289 : vector<32x56x112xi32>
    %jit3A_291 = arith.constant 16777216 : i32
    %broadcast_in_dim3A_292 = vector.broadcast %jit3A_291 : i32 to vector<32x56x112xi32>
    %select_n3A_293 = arith.select %lt3A_290, %broadcast_in_dim3A_292, %concatenate3A_287 : vector<32x56x112xi1>, vector<32x56x112xi32>
    %min3A_294 = arith.minsi %min3A_284, %select_n3A_293 : vector<32x56x112xi32>
    %slice3A_295 = vector.extract_strided_slice %min3A_294 {offsets = [0, 53, 0], sizes = [32, 3, 112], strides = [1, 1, 1]} : vector<32x56x112xi32> to vector<32x3x112xi32>
    %slice3A_296 = vector.extract_strided_slice %min3A_294 {offsets = [0, 0, 0], sizes = [32, 53, 112], strides = [1, 1, 1]} : vector<32x56x112xi32> to vector<32x53x112xi32>
    %concatenate3A_297 = tpu.concatenate %slice3A_295, %slice3A_296 in 1 : vector<32x3x112xi32>, vector<32x53x112xi32> -> vector<32x56x112xi32>
    %lt3A_298 = arith.constant 3 : i32
    %lt3A_299 = vector.broadcast %lt3A_298 : i32 to vector<32x56x112xi32>
    %lt3A_300 = arith.cmpi slt, %iota3A_1, %lt3A_299 : vector<32x56x112xi32>
    %jit3A_301 = arith.constant 16777216 : i32
    %broadcast_in_dim3A_302 = vector.broadcast %jit3A_301 : i32 to vector<32x56x112xi32>
    %select_n3A_303 = arith.select %lt3A_300, %broadcast_in_dim3A_302, %concatenate3A_297 : vector<32x56x112xi1>, vector<32x56x112xi32>
    %min3A_304 = arith.minsi %min3A_294, %select_n3A_303 : vector<32x56x112xi32>
    %get3A = arith.constant 0 : index
    %get3A_305 = arith.constant 0 : index
    %get3A_306 = memref.load %arg1[%get3A, %get3A_305] : memref<1x1xi32, #tpu.memory_space<smem>>
    %ge3A_307 = vector.broadcast %get3A_306 : i32 to vector<32x56x112xi32>
    %ge3A_308 = arith.cmpi sge, %min3A_304, %ge3A_307 : vector<32x56x112xi32>
    %convert_element_type3A = arith.extui %ge3A_308 : vector<32x56x112xi1> to vector<32x56x112xi32>
    %iota3A_309 = tpu.iota {dimensions = array<i32: 0>} : vector<32x56x112xi32>
    %shift_left3A_310 = arith.shli %convert_element_type3A, %iota3A_309 : vector<32x56x112xi32>
    %reduce_sum3A = arith.constant dense<0> : vector<56x112xi32>
    %reduce_sum3A_311 = vector.multi_reduction <add>, %shift_left3A_310, %reduce_sum3A [0] : vector<32x56x112xi32> to vector<56x112xi32>
    %swap3A = arith.constant 0 : index
    %swap3A_312 = arith.constant 0 : index
    %swap3A_313 = arith.constant 0 : index
    %swap3A_314 = vector.load %arg2[%swap3A, %swap3A_312, %swap3A_313] : memref<1x56x112xi32, #tpu.memory_space<vmem>>, vector<1x56x112xi32>
    %swap3A_315 = vector.shape_cast %swap3A_314 : vector<1x56x112xi32> to vector<56x112xi32>
    %swap3A_316 = vector.shape_cast %reduce_sum3A_311 : vector<56x112xi32> to vector<1x56x112xi32>
    tpu.vector_store %arg2[%swap3A, %swap3A_312, %swap3A_313], %swap3A_316 {strides = array<i32>} : memref<1x56x112xi32, #tpu.memory_space<vmem>>, vector<1x56x112xi32>,
    %eq3A = arith.constant 0 : i32
    %eq3A_317 = arith.cmpi eq, %arg0, %eq3A : i32
    %convert_element_type3A_318 = arith.extui %eq3A_317 : i1 to i32
    %cond3A = arith.constant 0 : i32
    %cond3A_319 = arith.cmpi ne, %convert_element_type3A_318, %cond3A : i32
    scf.if %cond3A_319 {
      %swap3A_332 = arith.constant 0 : i32
      %swap3A_333 = arith.constant 0 : index
      %swap3A_334 = arith.constant 0 : index
      %swap3A_335 = memref.load %arg3[%swap3A_333, %swap3A_334] : memref<1x1xi32, #tpu.memory_space<smem>>
      memref.store %swap3A_332, %arg3[%swap3A_333, %swap3A_334] : memref<1x1xi32, #tpu.memory_space<smem>>
    } else {
    }
    %get3A_320 = arith.constant 0 : index
    %get3A_321 = arith.constant 0 : index
    %get3A_322 = memref.load %arg3[%get3A_320, %get3A_321] : memref<1x1xi32, #tpu.memory_space<smem>>
    %reduce_sum3A_323 = vector.shape_cast %convert_element_type3A : vector<32x56x112xi32> to vector<1x32x56x112xi32>
    %reduce_sum3A_324 = arith.constant dense<0> : vector<1xi32>
    %reduce_sum3A_325 = vector.multi_reduction <add>, %reduce_sum3A_323, %reduce_sum3A_324 [1, 2, 3] : vector<1x32x56x112xi32> to vector<1xi32>
    %reduce_sum3A_326 = vector.shape_cast %reduce_sum3A_325 : vector<1xi32> to vector<1x1x1x1xi32>
    %reduce_sum3A_327 = vector.extract %reduce_sum3A_326[0, 0, 0, 0] : i32 from vector<1x1x1x1xi32>
    %add3A_328 = arith.addi %get3A_322, %reduce_sum3A_327 : i32
    %swap3A_329 = arith.constant 0 : index
    %swap3A_330 = arith.constant 0 : index
    %swap3A_331 = memref.load %arg3[%swap3A_329, %swap3A_330] : memref<1x1xi32, #tpu.memory_space<smem>>
    memref.store %add3A_328, %arg3[%swap3A_329, %swap3A_330] : memref<1x1xi32, #tpu.memory_space<smem>>
    return
  }
  func.func @transform_0(%arg0: i32) -> (i32, i32) {
    %c0_i32 = arith.constant 0 : i32
    %c0_i32_0 = arith.constant 0 : i32
    %c0_i32_1 = arith.constant 0 : i32
    return %c0_i32, %c0_i32_0 : i32, i32
  }
  func.func @transform_1(%arg0: i32) -> (i32, i32, i32) {
    %c0_i32 = arith.constant 0 : i32
    %c0_i32_0 = arith.constant 0 : i32
    %c0_i32_1 = arith.constant 0 : i32
    return %arg0, %c0_i32, %c0_i32_0 : i32, i32, i32
  }
  func.func @transform_2(%arg0: i32) -> (i32, i32) {
    %c0_i32 = arith.constant 0 : i32
    %c0_i32_0 = arith.constant 0 : i32
    %c0_i32_1 = arith.constant 0 : i32
    return %c0_i32, %c0_i32_0 : i32, i32
  }
}

module attributes {stable_mosaic.version = 14 : i64} {
  func.func @_scale_kernel(%arg0: i32, %arg1: memref<1x1xi32, #tpu.memory_space<smem>>, %arg2: memref<64x56x56xf32, #tpu.memory_space<vmem>>, %arg3: memref<1x56x112xi32, #tpu.memory_space<vmem>>, %arg4: memref<64x56x56xf32, #tpu.memory_space<vmem>>) attributes {dimension_semantics = [#tpu.dimension_semantics<arbitrary>], iteration_bounds = array<i64: 96>, scalar_prefetch = 0 : i64, scratch_operands = 0 : i64, tpu.core_type = #tpu.core_type<tc>, window_params = [{transform_indices = @transform_0, window_bounds = array<i64: 1, 1>}, {transform_indices = @transform_1, window_bounds = array<i64: 64, 56, 56>}, {transform_indices = @transform_2, window_bounds = array<i64: 1, 56, 112>}, {transform_indices = @transform_3, window_bounds = array<i64: 64, 56, 56>}]} {
    %get3A = arith.constant 0 : index
    %get3A_0 = arith.constant 0 : index
    %get3A_1 = memref.load %arg1[%get3A, %get3A_0] : memref<1x1xi32, #tpu.memory_space<smem>>
    %convert_element_type3A = arith.sitofp %get3A_1 : i32 to f32
    %div3A = arith.constant 0x4B930000 : f32
    %div3A_2 = arith.divf %div3A, %convert_element_type3A : f32
    %get3A_3 = arith.constant 0 : index
    %get3A_4 = arith.constant 0 : index
    %get3A_5 = arith.constant 0 : index
    %get3A_6 = vector.load %arg3[%get3A_3, %get3A_4, %get3A_5] : memref<1x56x112xi32, #tpu.memory_space<vmem>>, vector<1x56x112xi32>
    %get3A_7 = vector.shape_cast %get3A_6 : vector<1x56x112xi32> to vector<56x112xi32>
    %slice3A = vector.extract_strided_slice %get3A_7 {offsets = [0, 0], sizes = [56, 56], strides = [1, 1]} : vector<56x112xi32> to vector<56x56xi32>
    %slice3A_8 = vector.extract_strided_slice %get3A_7 {offsets = [0, 56], sizes = [56, 56], strides = [1, 1]} : vector<56x112xi32> to vector<56x56xi32>
    %iota3A = tpu.iota {dimensions = array<i32: 0>} : vector<64x56x56xi32>
    %and3A = arith.constant 1 : i32
    %and3A_9 = vector.broadcast %and3A : i32 to vector<64x56x56xi32>
    %and3A_10 = arith.andi %iota3A, %and3A_9 : vector<64x56x56xi32>
    %eq3A = arith.constant 0 : i32
    %eq3A_11 = vector.broadcast %eq3A : i32 to vector<64x56x56xi32>
    %eq3A_12 = arith.cmpi eq, %and3A_10, %eq3A_11 : vector<64x56x56xi32>
    %broadcast_in_dim3A = vector.shape_cast %slice3A : vector<56x56xi32> to vector<1x56x56xi32>
    %broadcast_in_dim3A_13 = vector.shape_cast %slice3A_8 : vector<56x56xi32> to vector<1x56x56xi32>
    %broadcast_in_dim3A_14 = vector.shape_cast %broadcast_in_dim3A : vector<1x56x56xi32> to vector<1x56x56xi32>
    %broadcast_in_dim3A_15 = vector.broadcast %broadcast_in_dim3A_14 : vector<1x56x56xi32> to vector<64x56x56xi32>
    %broadcast_in_dim3A_16 = vector.shape_cast %broadcast_in_dim3A_13 : vector<1x56x56xi32> to vector<1x56x56xi32>
    %broadcast_in_dim3A_17 = vector.broadcast %broadcast_in_dim3A_16 : vector<1x56x56xi32> to vector<64x56x56xi32>
    %select_n3A = arith.select %eq3A_12, %broadcast_in_dim3A_15, %broadcast_in_dim3A_17 : vector<64x56x56xi1>, vector<64x56x56xi32>
    %shift_right_arithmetic3A = arith.constant 1 : i32
    %shift_right_arithmetic3A_18 = vector.broadcast %shift_right_arithmetic3A : i32 to vector<64x56x56xi32>
    %shift_right_arithmetic3A_19 = arith.shrsi %iota3A, %shift_right_arithmetic3A_18 : vector<64x56x56xi32>
    %shift_right_arithmetic3A_20 = arith.shrsi %select_n3A, %shift_right_arithmetic3A_19 : vector<64x56x56xi32>
    %and3A_21 = arith.constant 1 : i32
    %and3A_22 = vector.broadcast %and3A_21 : i32 to vector<64x56x56xi32>
    %and3A_23 = arith.andi %shift_right_arithmetic3A_20, %and3A_22 : vector<64x56x56xi32>
    %get3A_24 = arith.constant 0 : index
    %get3A_25 = arith.constant 0 : index
    %get3A_26 = arith.constant 0 : index
    %get3A_27 = vector.load %arg2[%get3A_24, %get3A_25, %get3A_26] : memref<64x56x56xf32, #tpu.memory_space<vmem>>, vector<64x56x56xf32>
    %convert_element_type3A_28 = arith.sitofp %and3A_23 : vector<64x56x56xi32> to vector<64x56x56xf32>
    %mul3A = vector.broadcast %div3A_2 : f32 to vector<64x56x56xf32>
    %mul3A_29 = arith.mulf %convert_element_type3A_28, %mul3A : vector<64x56x56xf32>
    %mul3A_30 = arith.mulf %get3A_27, %mul3A_29 : vector<64x56x56xf32>
    %swap3A = arith.constant 0 : index
    %swap3A_31 = arith.constant 0 : index
    %swap3A_32 = arith.constant 0 : index
    %swap3A_33 = vector.load %arg4[%swap3A, %swap3A_31, %swap3A_32] : memref<64x56x56xf32, #tpu.memory_space<vmem>>, vector<64x56x56xf32>
    tpu.vector_store %arg4[%swap3A, %swap3A_31, %swap3A_32], %mul3A_30 {strides = array<i32>} : memref<64x56x56xf32, #tpu.memory_space<vmem>>, vector<64x56x56xf32>,
    return
  }
  func.func @transform_0(%arg0: i32) -> (i32, i32) {
    %c0_i32 = arith.constant 0 : i32
    %c0_i32_0 = arith.constant 0 : i32
    %c0_i32_1 = arith.constant 0 : i32
    return %c0_i32, %c0_i32_0 : i32, i32
  }
  func.func @transform_1(%arg0: i32) -> (i32, i32, i32) {
    %c0_i32 = arith.constant 0 : i32
    %c0_i32_0 = arith.constant 0 : i32
    %c0_i32_1 = arith.constant 0 : i32
    return %arg0, %c0_i32, %c0_i32_0 : i32, i32, i32
  }
  func.func @transform_2(%arg0: i32) -> (i32, i32, i32) {
    %c0_i32 = arith.constant 0 : i32
    %c0_i32_0 = arith.constant 0 : i32
    %c0_i32_1 = arith.constant 0 : i32
    return %arg0, %c0_i32, %c0_i32_0 : i32, i32, i32
  }
  func.func @transform_3(%arg0: i32) -> (i32, i32, i32) {
    %c0_i32 = arith.constant 0 : i32
    %c0_i32_0 = arith.constant 0 : i32
    %c0_i32_1 = arith.constant 0 : i32
    return %arg0, %c0_i32, %c0_i32_0 : i32, i32, i32
  }
}

</mosaic_0001>

<sc_bundles>
// kernel: sparse-core-data-format-call.cloned.1.call-start
scs
called_computation_lowered:
.L_overlay_start_0:
0x0: {  	s2 =	sld [smem:$0x3FD9]  }
0x1: {  	s3 =	sld [smem:$0x3FFE];
	_ =	sdelay $0x1  }
0x2: {  	s1 =	srdreg.scid  }
0x3: {  	s0 =	sand.u32 $0x1, s1  }
0x4: {  	s18 =	sshll.u32 s0, $0xA;
	s2 =	sadd.s32 s3, s2  }
0x5: {  	s2 =	sadd.s32 s2, s18  }
0x6: {  	[smem:$0x3FC6] =	sst s2  }
0x7: {  	_ = 	snop  }
0x8: {  	s2 =	sld [smem:$0x3FD0];
	(tm) =	ssettm $0x1  }
0x9: {  	s19 =	sld [smem:$0x3FFB];
	_ =	sdelay $0x3  }
0xa: {  	_ =	strace s19  }
0xb: {  	s3 =	sld [smem:$0x3FFC];
	_ =	sdelay $0x3  }
0xc: {  	_ =	strace s3  }
0xd: {  	s3 =	sld [smem:$0x3FFD];
	_ =	sdelay $0x3  }
0xe: {  	_ =	strace s3  }
0xf: {  	_ =	strace $0x8FFFFFFF  }
0x10: {  	s20 =	sld [smem:$0x3FDB];
	_ =	sdelay $0x1  }
0x11: {  	s4 =	simm.s32 $_scs_section_size  }
0x12: {  	s5 =	simm.s32 $_size__tile_overlayer_lowered;
	s6 =	simm.s32 $_tile_overlayer_lowered  }
0x13: {  	s23 =	simm.s32 $0x1BFF;
	s22 =	sshll.u32 s6, $0x1;
	s3 =	sadd.s32 s4, s20  }
0x14: {  	s7 =	simm.s32 $0x0;
	s21 =	sshll.u32 s5, $0x1;
	s5 =	sadd.s32 s22, s3  }
0x15: {  	[timem:s7], [sflag:s23] =	dma.local [hbm:s5], s21  }
0x16: {  	_ =	swait.ge [sflag:s23], s21  }
0x17: {  	s4 =	ssub.s32 $0x0, s21;
	[sflag:s23] =	ssyncset.done $0x0  }
0x18: {  	[sflag:s23] =	ssyncadd.s32 s4;
	_ =	sdelay $0x1  }
0x19: {  	s24 =	simm.s32 $0x1B8B  }
0x1a: {  	_ =	swait.ge [sflag:s24], $0x1  }
0x1b: {  	[sflag:s24] =	ssyncset.done $0x0  }
0x1c: {  	s26 =	simm.s32 $0x1B8E;
	s25 =	sld [smem:$0x3FFE];
	[sflag:s24] =	ssyncadd.s32 $0xFFFFFFFF  }
0x1d: {  	s27 =	simm.s32 $execute0_lowered;
	[smem:$0x3FD2] =	sst s26  }
0x1e: {  	s5 =	sshll.u32 s27, $0x1;
	_ =	strace $0x80000046;
	[dreg:$0x1] =	wrdreg $0xFFFFFFFF  }
0x1f: {  	s28 =	simm.s32 $_size_execute0_lowered;
	s3 =	sadd.s32 s3, s5;
	[dreg:$0x0] =	wrdreg $0x0  }
0x20: {  	s5 =	sshll.u32 s28, $0x1;
	[dreg:$0x2] =	wrdreg s3  }
0x21: {  	[dreg:$0x3] =	wrdreg s5  }
0x22: {  	[dreg:$0x4] =	wrdreg $0xC0  }
0x23: {  	_ =	task [dreg:s7], $0x5FFFF  }
0x24: {  	[dreg:$0x1] =	wrdreg $0xFFFFFFFF  }
0x25: {  	[dreg:$0x0] =	wrdreg $0x60  }
0x26: {  	[dreg:$0x2] =	wrdreg s25  }
0x27: {  	[dreg:$0x3] =	wrdreg s2  }
0x28: {  	[dreg:$0x4] =	wrdreg $0x9  }
0x29: {  	_ =	task.clear_ibuf [dreg:s7], $0x5FFFF;
	_ =	strace $0x90000046  }
0x2a: {  	s29 =	simm.s32 $0x9;
	_ =	strace $0x80000048  }
0x2b: {  	_ =	swait.ge [sflag:s29], $0x1  }
0x2c: {  	[sflag:s29] =	ssyncadd.s32 $0xFFFFFFFF  }
0x2d: {  	_ =	strace $0x90000048  }
0x2e: {  	_ =	sfence  }
0x2f: {  	s30 =	sld [smem:$0x0];
	_ =	sdelay $0x2  }
0x30: {  	s31 =	sshll.u32 s1, $0xD;
	s1 =	sshrl.u32 s1, $0x2  }
0x31: {  	s3 =	sand.u32 $0x4000, s31;
	s1 =	sadd.s32 s1, s30  }
0x32: {  	s0 =	sor.u32 s3, s0;
	s1 =	sshll.u32 s1, $0x11  }
0x33: {  	s0 =	sor.u32 s1, s0  }
0x34: {  	s0 =	sadd.s32 $0x8F2B, s0  }
0x35: {  	[sflag:s0] =	ssyncadd.remote.s32 $0x1  }
0x36: {  	_ =	sfence.sel $0xFFFF  }
0x37: {  	[dreg:$0x0] =	wrdreg $0xFFFFFFFF;
	(pc) =	sbr.abs _section_cstart, $3  }
0x38: {  	[dreg:$0x1] =	wrdreg $0xFFFFFFFF  }
0x39: {  	_ =	task.clear_ibuf [dreg:s7], $0x2FFFF;
	_ =	strace $0x9FFFFFFF  }
0x3a: {  	(tm) =	ssettm $0x7FFFFFFF  }
0x3b: {  	_ =	shalt  }
tec
execute0_lowered:
.L_overlay_start_1:
0x0: {  	(tag) =	ssettag $0x1  }
0x1: {  	s0 =	rddreg [dreg:$0x0];
	s1 =	srdreg.scid  }
0x2: {  	_ =	strace $0x80000047;
	s30 =	stileid.u32;
	s2 =	simm.s32 $0x1  }
0x3: {  	s31 =	simm.s32 $0x2;
	s17 =	simm.s32 $0x0;
	p0 =	por $0x0, $0x0  }
0x4: {  	s15 =	simm.s32 $0x0;
	s16 =	simm.s32 $0x0;
	s14 =	simm.s32 $0x0  }
.Ltmp0:
0x5: {  	s9 =	simm.s32 $0x0;
	s10 =	simm.s32 $0x0;
	(pc) =	sbr.rel .LBB1_1-.Ltmp0, $4  }
0x6: {  	s11 =	simm.s32 $0x0;
	s12 =	simm.s32 $0x0;
	s29 =	sshll.u32 s1, $0x4  }
0x7: {  	s8 =	simm.s32 $0x0;
	s6 =	sadd.s32 $0x540800, s0;
	s0 =	sand.u32 $0x10, s29  }
0x8: {  	[sflag:s2] =	ssyncpa.u1 $0x0;
	[dreg:$0x3] =	wrdreg s6;
	s7 =	sor.u32 s30, s0  }
0x9: {  	[sflag:s31] =	ssyncpa.u1 $0x0;
	s13 =	smov.u32 s7;
	[dreg:$0x4] =	wrdreg s7  }
.LBB1_13:
0xa: {  	s1 =	rddreg [dreg:$0x9]  }
0xb: {  	s25 =	rddreg [dreg:$0xa]  }
0xc: {  	p1 =	sgt.s32 s9, $0x80;
	s0 =	smov.u32 s9;
	s3 =	rddreg [dreg:$0x7]  }
0xd: {  	s2 =	sshrl.u32 s9, $0x5;
	s4 =	rddreg [dreg:$0x8];
	s0 =	simm.s32 @!p1 $0x80  }
0xe: {  	s27 =	smul.u32 $0x18800, s10;
	s14 =	rddreg [dreg:$0x5];
	s0 =	sadd.s32 s1, s0  }
0xf: {  	s2 =	sand.u32 $0xFFFFFC, s2;
	s28 =	smul.u32 $0x700, s14;
	s1 =	sadd.s32 $0xFFFFFF80, s0  }
0x10: {  	s26 =	smulhi.u32 $0x4924925, s2;
	s0 =	ssub.s32 $0x100, s0;
	p1 =	sgt.s32 s1, $0x7F  }
0x11: {  	s5 =	sshrl.u32 s9, $0x3;
	s1 =	smul.u32 $0x2040, s25;
	s0 =	simm.s32 @p1 $0x0  }
0x12: {  	s6 =	rddreg [dreg:$0x1];
	s29 =	sand.u32 $0x7, s9;
	s0 =	smul.u32 s0, s3  }
0x13: {  	s31 =	simm.s32 $0x800;
	s7 =	rddreg [dreg:$0x4];
	s3 =	smul.u32 $0x38, s26  }
0x14: {  	s17 =	rddreg [dreg:$0x6];
	s5 =	sand.u32 $0xF, s5;
	s0 =	smul.u32 s4, s0  }
0x15: {  	s1 =	sor.u32 $0x4000, s1;
	s2 =	ssub.s32 s2, s3;
	s4 =	sadd.s32 s6, s27  }
0x16: {  	s6 =	rddreg [dreg:$0x3];
	s3 =	sadd.s32 s28, s4;
	s0 =	smul.u32 $0x38, s0  }
0x17: {  	s2 =	sshll.u32 s2, $0x5;
	s4 =	sshll.u32 s29, $0x12;
	s3 =	sadd.s32 s5, s3  }
0x18: {  	s30 =	sor.u32 $0x400, s4;
	s2 =	sadd.s32 s2, s3;
	s0 =	sand.u32 $0x3FFFFFF8, s0  }
0x19: {  	[hbm4b:s2+s30] =	stream.strided.scatter [tilespmem:s1], [sflag:$0x2], s0, s31, s30, $0x20;
	[tilespmem:$0x8080] =	vst v63  }
.LBB1_14:
0x1a: {  	p1 =	slt.u32 s8, $0x2  }
0x1b: {  	p2 =	sgt.s32 @!p1 s16, $0x1F  }
0x1c: {  	s0 =	smov.u32 s16;
	s1 =	sshra.s32 @!p1 s16, $0x1F;
	p2 =	por !p2, p1  }
0x1d: {  	s1 =	sand.u32 @!p1 s1, s16;
	s0 =	simm.s32 @p2 $0x1F  }
0x1e: {  	s0 =	ssub.s32 @!p1 s0, s1  }
0x1f: {  	s3 =	smov.u32 s17;
	p3 =	sgt.s32 @!p1 s15, $0x80;
	s1 =	sadd.s32 @!p1 $0xFFFFFFE1, s0  }
0x20: {  	p3 =	por !p3, p1;
	p2 =	sgt.s32 @!p1 s1, $0x0;
	s1 =	smov.u32 s15  }
0x21: {  	s2 =	sshra.s32 @!p1 s15, $0x1F;
	s1 =	simm.s32 @p3 $0x80;
	p3 =	sgt.s32 @!p1 s17, $0x37  }
0x22: {  	s4 =	sshra.s32 @!p1 s17, $0x1F;
	s2 =	sand.u32 @!p1 s2, s15;
	p3 =	por !p3, p1  }
0x23: {  	s4 =	sand.u32 @!p1 s4, s17;
	s1 =	ssub.s32 @!p1 s1, s2;
	s3 =	simm.s32 @p3 $0x37  }
0x24: {  	s0 =	ssub.s32 @!p1 $0x20, s0;
	s2 =	ssub.s32 @!p1 s3, s4;
	s3 =	sadd.s32 @!p1 $0xFFFFFF80, s1  }
0x25: {  	s0 =	smul.u32 @!p1 $0x38, s0;
	p2 =	por !p2, p1;
	p3 =	sgt.s32 @!p1 s3, $0x7F  }
0x26: {  	s1 =	ssub.s32 @!p1 $0x100, s1;
	s4 =	sadd.s32 @!p1 $0xFFFFFFC9, s2;
	p3 =	por !p3, p1  }
0x27: {  	s0 =	simm.s32 @!p2 $0x0;
	s1 =	simm.s32 @!p3 $0x0;
	p3 =	sgt.s32 @!p1 s4, $0x0  }
0x28: {  	s2 =	ssub.s32 @!p1 $0x38, s2;
	p2 =	por !p3, p1;
	s0 =	smul.u32 @!p1 s1, s0  }
0x29: {  	s3 =	smov.u32 s12;
	s1 =	sadd.s32 $0x1, s11;
	s2 =	simm.s32 @!p2 $0x0  }
0x2a: {  	p2 =	sgt.s32 s1, $0x37;
	s0 =	smul.u32 @!p1 s2, s0;
	s2 =	sadd.s32 $0x80, s12  }
0x2b: {  	s3 =	smov.u32 @p2 s2  }
0x2c: {  	s5 =	smov.u32 s13;
	s2 =	sadd.s32 $0x20, s13;
	p3 =	sgt.s32 s3, $0xBF  }
0x2d: {  	s8 =	sadd.s32 $0x1, s8;
	p0 =	por !p0, !p0;
	s5 =	smov.u32 @p3 s2  }
0x2e: {  	s16 =	smov.u32 s10;
	s1 =	simm.s32 @p2 $0x0;
	p2 =	sgt.s32 s5, $0x1F  }
0x2f: {  	s10 =	smov.u32 s13;
	s5 =	smov.u32 @p2 s7;
	p2 =	sne.s32 s8, $0x72  }
.Ltmp1:
0x30: {  	s15 =	smov.u32 s9;
	s9 =	smov.u32 s12;
	(pc) =	sbr.rel @!p2 .LBB1_15-.Ltmp1, $4  }
0x31: {  	s17 =	smov.u32 s14;
	s4 =	simm.s32 @!p1 $0x2;
	s0 =	sand.u32 @!p1 $0x3FFFFFF8, s0  }
0x32: {  	s14 =	smov.u32 s11;
	s11 =	smov.u32 s1;
	_ =	swait.ge @!p1 [sflag:s4], s0  }
0x33: {  	s0 =	ssub.s32 @!p1 $0x0, s0;
	s3 =	simm.s32 @p3 $0x0;
	[sflag:s4] =	ssyncset.done @!p1 $0x0  }
0x34: {  	s12 =	smov.u32 s3;
	[sflag:s4] =	ssyncadd.s32 @!p1 s0;
	s13 =	smov.u32 s5  }
.LBB1_1:
0x35: {  	p1 =	sgt.u32 s8, $0x6F  }
0x36: {  	s1 =	smov.u32 s13;
	s4 =	smov.u32 s12;
	p2 =	sgt.s32 @!p1 s13, $0x1F  }
0x37: {  	s0 =	sand.u32 @!p1 $0x1FFFFFF, s11;
	s3 =	sshra.s32 @!p1 s13, $0x1F;
	p2 =	por !p2, p1  }
0x38: {  	s5 =	sshra.s32 @!p1 s12, $0x1F;
	s1 =	simm.s32 @p2 $0x1F;
	p2 =	sgt.s32 @!p1 s12, $0x40  }
0x39: {  	s2 =	smulhi.u32 @!p1 $0x4924925, s0;
	s3 =	sand.u32 @!p1 s3, s13;
	p2 =	por !p2, p1  }
0x3a: {  	s5 =	sand.u32 @!p1 s5, s12;
	s1 =	ssub.s32 @!p1 s1, s3;
	s4 =	simm.s32 @p2 $0x40  }
0x3b: {  	p2 =	sgt.s32 @!p1 s11, $0x37;
	s1 =	sadd.s32 @!p1 $0xFFFFFFE1, s1;
	s3 =	ssub.s32 @!p1 s4, s5  }
0x3c: {  	p2 =	por !p2, p1;
	s5 =	smov.u32 s11;
	s4 =	sadd.s32 @!p1 $0xFFFFFFC0, s3  }
0x3d: {  	s5 =	simm.s32 @p2 $0x37;
	p3 =	sgt.s32 @!p1 s4, $0x7F;
	s4 =	sshra.s32 @!p1 s11, $0x1F  }
0x3e: {  	p2 =	sgt.s32 @!p1 s1, $0x0;
	s1 =	sshll.u32 @!p1 s1, $0x6;
	s4 =	sand.u32 @!p1 s4, s11  }
0x3f: {  	s3 =	ssub.s32 @!p1 $0xC0, s3;
	s1 =	ssub.s32 @!p1 $0x40, s1;
	s4 =	ssub.s32 @!p1 s5, s4  }
0x40: {  	p2 =	por !p2, p1;
	p3 =	por !p3, p1;
	s5 =	sadd.s32 @!p1 $0xFFFFFFC9, s4  }
0x41: {  	s1 =	simm.s32 @!p2 $0x0;
	s3 =	simm.s32 @!p3 $0x0;
	p3 =	sgt.s32 @!p1 s5, $0x0  }
0x42: {  	s4 =	ssub.s32 @!p1 $0x38, s4;
	s1 =	smul.u32 @!p1 s3, s1;
	p2 =	por !p3, p1  }
0x43: {  	s2 =	smul.u32 @!p1 $0x38, s2;
	s4 =	simm.s32 @!p2 $0x0  }
0x44: {  	s1 =	smul.u32 @!p1 s4, s1  }
0x45: {  	s4 =	smul.u32 @!p1 $0x2A000, s13  }
0x46: {  	s0 =	ssub.s32 @!p1 s0, s2;
	s3 =	sxor.u32 @!p1 $0xFFFFFFFF, s8;
	s5 =	smul.u32 @!p1 $0x380, s12  }
0x47: {  	s0 =	sshll.u32 @!p1 s0, $0x4;
	s3 =	sshll.u32 @!p1 s3, $0xD;
	s2 =	sadd.s32 @!p1 s6, s4  }
0x48: {  	s3 =	sand.u32 @!p1 $0x2000, s3;
	s1 =	sand.u32 @!p1 $0x3FFFFFC0, s1;
	s2 =	sadd.s32 @!p1 s5, s2  }
0x49: {  	s4 =	simm.s32 @!p1 $0x1C00;
	s0 =	sadd.s32 @!p1 s0, s2;
	s2 =	simm.s32 @!p1 $0x40  }
0x4a: {  	[tilespmem:s3], [sflag:$0x1] =	stream.strided.gather @!p1 [hbm4b:s0+s2], s1, s4, s2, $0x38;
	[tilespmem:$0x8080] =	vst v63  }
0x4b: {  	p1 =	seq.s32 s8, $0x0  }
0x4c: {  	p2 =	seq.s32 @!p1 s8, $0x71  }
0x4d: {  	p1 =	por p1, p2  }
.Ltmp2:
0x4e: {  	_ = 	snop;
	(pc) =	sbr.rel @p1 .LBB1_14-.Ltmp2, $1  }
0x4f: {  	_ =	sdelay $0x3  }
0x50: {  	p1 =	sgt.s32 s10, $0x1F  }
0x51: {  	s0 =	smov.u32 s10;
	s1 =	sshra.s32 s10, $0x1F;
	s25 =	ssub.s32 $0x0, s9  }
0x52: {  	s2 =	sshra.s32 s9, $0x1F;
	p2 =	sgt.s32 s14, $0x37;
	s3 =	smov.u32 s14  }
0x53: {  	s4 =	sshra.s32 s14, $0x1F;
	p3 =	sgt.s32 s9, $0x40;
	s5 =	smov.u32 s9  }
0x54: {  	s0 =	simm.s32 @!p1 $0x1F;
	s1 =	sand.u32 s1, s10;
	s3 =	simm.s32 @!p2 $0x37  }
0x55: {  	s4 =	sand.u32 s4, s14;
	s2 =	sand.u32 s25, s2;
	s5 =	simm.s32 @!p3 $0x40  }
0x56: {  	s0 =	ssub.s32 s0, s1;
	s26 =	ssub.s32 s3, s4;
	[dreg:$0x9] =	wrdreg s2  }
0x57: {  	s27 =	sadd.s32 s2, s5;
	s2 =	sadd.s32 $0x1, s10;
	s1 =	sadd.s32 $0xFFFFFFE1, s0  }
0x58: {  	s4 =	ssub.s32 $0x20, s0;
	s28 =	sadd.s32 $0xFFFFFFC9, s26;
	s29 =	sadd.s32 $0xFFFFFFC0, s27  }
0x59: {  	p1 =	sgt.s32 s1, $0x0;
	p2 =	sgt.s32 s28, $0x0;
	s1 =	ssub.s32 $0x38, s26  }
0x5a: {  	s0 =	ssub.s32 $0xC0, s27;
	s4 =	simm.s32 @p1 $0x0;
	s1 =	simm.s32 @p2 $0x0  }
0x5b: {  	p1 =	sgt.s32 s29, $0x7F;
	[dreg:$0x8] =	wrdreg s1;
	s1 =	smul.u32 s4, s1  }
0x5c: {  	s3 =	sadd.s32 $0x80, s9;
	s0 =	simm.s32 @p1 $0x0;
	p1 =	slt.s32 s2, $0x20  }
0x5d: {  	s2 =	simm.s32 @!p1 $0x20;
	p1 =	slt.s32 s3, $0xC0;
	s0 =	smul.u32 s0, s1  }
0x5e: {  	s20 =	ssub.s32 s2, s10;
	s3 =	simm.s32 @!p1 $0xC0;
	s1 =	sadd.s32 $0x1, s14  }
0x5f: {  	s21 =	ssub.s32 s3, s9;
	p2 =	slt.s32 s1, $0x38;
	p1 =	slt.s32 s20, $0x1  }
0x60: {  	s1 =	simm.s32 @!p2 $0x38;
	p2 =	slt.s32 @!p1 s21, $0x1  }
0x61: {  	s23 =	ssub.s32 s1, s14;
	p2 =	por p1, p2  }
0x62: {  	p3 =	slt.s32 @!p2 s23, $0x1  }
0x63: {  	[dreg:$0x6] =	wrdreg s17;
	p2 =	por p2, p3  }
.Ltmp3:
0x64: {  	[dreg:$0x5] =	wrdreg s14;
	s0 =	sshll.u32 s0, $0x6;
	(pc) =	sbr.rel @p2 .LBB1_13-.Ltmp3, $4  }
0x65: {  	s30 =	simm.s32 $0x1;
	[dreg:$0x7] =	wrdreg s4;
	s0 =	sand.u32 $0x3FFFFFC0, s0  }
0x66: {  	_ =	swait.ge [sflag:s30], s0  }
0x67: {  	s31 =	sand.u32 $0x1, s8;
	s0 =	ssub.s32 $0x0, s0;
	[sflag:s30] =	ssyncset.done $0x0  }
0x68: {  	[dreg:$0xa] =	wrdreg s31;
	[sflag:s30] =	ssyncadd.s32 s0  }
0x69: {  	s0 =	simm.s32 $0x1  }
0x6a: {  	s0 =	simm.s32 @!p0 $0x0  }
0x6b: {  	s0 =	smul.u32 $0x8100, s0  }
.Ltmp4:
0x6c: {  	_ = 	snop;
	(pc) =	sbr.rel .LBB1_4-.Ltmp4, $4  }
0x6d: {  	_ = 	snop  }
0x6e: {  	s0 =	sshrl.u32 s0, $0x2  }
0x6f: {  	s24 =	sor.u32 $0x4000, s0;
	s0 =	rddreg [dreg:$0xa]  }
0x70: {  	s26 =	simm.s32 $0x0;
	s25 =	sshll.u32 @!p1 s0, $0xD  }
.LBB1_12:
0x71: {  	s26 =	sadd.s32 $0x1, s26  }
0x72: {  	p1 =	sne.s32 s26, s20  }
.Ltmp5:
0x73: {  	_ = 	snop;
	(pc) =	sbr.rel @!p1 .LBB1_13-.Ltmp5, $2  }
0x74: {  	_ =	sdelay $0x2  }
0x75: {  	s24 =	sadd.s32 $0x2040, s24  }
.LBB1_4:
0x76: {  	s0 =	sshll.u32 s26, $0xF;
	s28 =	simm.s32 $0x800  }
0x77: {  	s29 =	simm.s32 $0x1800;
	s30 =	simm.s32 $0x0;
	s0 =	sshra.s32 s0, $0x2  }
0x78: {  	s31 =	simm.s32 $0x0;
	s27 =	sadd.s32 s0, s25;
	s0 =	simm.s32 $0x0  }
.LBB1_5:
0x79: {  	s1 =	sshrl.u32 s30, $0xA;
	s2 =	sshll.u32 s0, $0x8  }
0x7a: {  	s3 =	sshrl.u32 s28, $0xA;
	s4 =	sshrl.u32 s29, $0xA;
	s2 =	sshra.s32 s2, $0x2  }
0x7b: {  	s5 =	sshrl.u32 s0, $0x4;
	s1 =	sand.u32 $0x7, s1;
	s2 =	sadd.s32 s2, s27  }
0x7c: {  	s14 =	sand.u32 $0x7F, s31;
	s3 =	sand.u32 $0x7, s3;
	s1 =	smul.u32 $0x1020, s1;
	v0 =	vmov s2  }
0x7d: {  	s6 =	sand.u32 $0x7, s4;
	s7 =	sand.u32 $0x38, s5;
	s3 =	smul.u32 $0x1020, s3  }
0x7e: {  	s17 =	simm.s32 $0x0;
	s6 =	smul.u32 $0x1020, s6;
	s18 =	sxor.u32 $0x20, s7  }
0x7f: {  	p2 =	sne.s32 s23, $0x1;
	p1 =	por $0x0, $0x0;
	s4 =	smul.u32 $0x204, s18  }
.Ltmp6:
0x80: {  	s17 =	sand.u32 $0x1C0, s17;
	s18 =	sshll.u32 s14, $0x2;
	(pc) =	sbr.rel @!p2 .LBB1_6-.Ltmp6, $4  }
0x81: {  	s1 =	sshrl.u32 s1, $0x2;
	s19 =	sshrl.u32 s3, $0x2;
	s22 =	sshrl.u32 s6, $0x2;
	v7 =	vld.idx.msk [tilespmem:v0+s17+$0x30 ss:$0x1], $0xffff  }
0x82: {  	s6 =	sshrl.u32 s18, $0x2;
	s2 =	sadd.s32 s1, s24;
	s4 =	sshrl.u32 s4, $0x2;
	v8 =	vld.idx.msk [tilespmem:v0+s17+$0x0 ss:$0x1], $0xffff  }
0x83: {  	s5 =	sadd.s32 s19, s24;
	s1 =	sadd.s32 s22, s24;
	s19 =	sadd.s32 s4, s24;
	v6 =	vld.idx.msk [tilespmem:v0+s17+$0x10 ss:$0x1], $0xffff  }
0x84: {  	s4 =	sadd.s32 $0xFFFFFFFF, s23;
	s3 =	sadd.s32 s6, s1;
	v5 =	vld.idx.msk [tilespmem:v0+s17+$0x20 ss:$0x1], $0xffff;
	s17 =	simm.s32 $0x40  }
0x85: {  	_ =	sdelay $0x1  }
0x86: {  	p2 =	sne.s32 s4, $0x1  }
.Ltmp7:
0x87: {  	s18 =	sand.u32 $0x1C0, s17;
	(pc) =	sbr.rel @!p2 .LBB1_8-.Ltmp7, $4  }
0x88: {  	s22 =	sadd.s32 s6, s2;
	s7 =	sadd.s32 s6, s5;
	v1 =	vld.idx.msk [tilespmem:v0+s18+$0x30 ss:$0x1], $0xffff;
	[tilespmem:s3+$0x0 ss:$0x81] =	vst.msk $0xffff, v7  }
0x89: {  	s17 =	sadd.s32 $0xFFFFFFFF, s4;
	s14 =	sadd.s32 s6, s19;
	s2 =	sadd.s32 $0x2040, s2;
	v2 =	vld.idx.msk [tilespmem:v0+s18+$0x0 ss:$0x1], $0xffff;
	[tilespmem:s22+$0x0 ss:$0x81] =	vst.msk $0xffff, v8  }
0x8a: {  	p1 =	por $0x1, $0x1;
	s4 =	smov.u32 s5;
	v3 =	vld.idx.msk [tilespmem:v0+s18+$0x10 ss:$0x1], $0xffff;
	s22 =	sadd.s32 $0x2040, s1;
	[tilespmem:s7+$0x0 ss:$0x81] =	vst.msk $0xffff, v6  }
0x8b: {  	v4 =	vld.idx.msk [tilespmem:v0+s18+$0x20 ss:$0x1], $0xffff;
	s18 =	simm.s32 $0x80;
	s1 =	smov.u32 s19;
	s3 =	sadd.s32 s6, s22;
	[tilespmem:s14+$0x0 ss:$0x81] =	vst.msk $0xffff, v5  }
.LBB1_9:
0x8c: {  	s14 =	sand.u32 $0x1C0, s18;
	p2 =	sne.s32 s17, $0x1;
	s17 =	sadd.s32 $0xFFFFFFFF, s17  }
.Ltmp8:
0x8d: {  	s7 =	sadd.s32 s6, s2;
	s4 =	sadd.s32 $0x2040, s4;
	[tilespmem:s3+$0x0 ss:$0x81] =	vst.msk $0xffff, v1;
	v1 =	vld.idx.msk [tilespmem:v0+s14+$0x30 ss:$0x1], $0xffff;
	(pc) =	sbr.rel @p2 .LBB1_9-.Ltmp8, $4  }
0x8e: {  	s1 =	sadd.s32 $0x2040, s1;
	s3 =	sadd.s32 s6, s4;
	[tilespmem:s7+$0x0 ss:$0x81] =	vst.msk $0xffff, v2;
	v2 =	vld.idx.msk [tilespmem:v0+s14+$0x0 ss:$0x1], $0xffff  }
0x8f: {  	[tilespmem:s3+$0x0 ss:$0x81] =	vst.msk $0xffff, v3;
	v3 =	vld.idx.msk [tilespmem:v0+s14+$0x10 ss:$0x1], $0xffff;
	s3 =	sadd.s32 s6, s1  }
0x90: {  	s22 =	sadd.s32 $0x2040, s22;
	[tilespmem:s3+$0x0 ss:$0x81] =	vst.msk $0xffff, v4;
	v4 =	vld.idx.msk [tilespmem:v0+s14+$0x20 ss:$0x1], $0xffff  }
0x91: {  	s18 =	sadd.s32 $0x40, s18;
	s2 =	sadd.s32 $0x2040, s2;
	s3 =	sadd.s32 s6, s22  }
0x92: {  	_ =	sdelay $0x2  }
0x93: {  	v7 =	vmovc v1;
	v8 =	vmov v2;
	v6 =	vmov v3;
	v5 =	vmov v4  }
.LBB1_11:
0x94: {  	s4 =	sadd.s32 @p1 $0x2040, s4;
	s1 =	sadd.s32 @p1 $0x2040, s1;
	s0 =	sadd.s32 $0x1, s0  }
0x95: {  	s5 =	smov.u32 @p1 s4;
	s19 =	smov.u32 @p1 s1;
	p1 =	sne.s32 s0, s21  }
.Ltmp9:
0x96: {  	_ = 	snop;
	(pc) =	sbr.rel @p1 .LBB1_5-.Ltmp9, $4  }
.Ltmp10:
0x97: {  	s2 =	sadd.s32 s6, s2;
	[tilespmem:s3+$0x0 ss:$0x81] =	vst.msk $0xffff, v7;
	(pc) =	sbr.rel @!p1 .LBB1_12-.Ltmp10, $4  }
0x98: {  	[tilespmem:s2+$0x0 ss:$0x81] =	vst.msk $0xffff, v8;
	s22 =	sadd.s32 s6, s5  }
0x99: {  	s31 =	sadd.s32 $0x1, s31;
	s1 =	sadd.s32 s6, s19;
	[tilespmem:s22+$0x0 ss:$0x81] =	vst.msk $0xffff, v6  }
0x9a: {  	s30 =	sadd.s32 $0x8, s30;
	s28 =	sadd.s32 $0x8, s28;
	s29 =	sadd.s32 $0x8, s29;
	[tilespmem:s1+$0x0 ss:$0x81] =	vst.msk $0xffff, v5  }
0x9b: {  	_ = 	snop  }
.LBB1_6:
.Ltmp11:
0x9c: {  	(pc) =	sbr.rel .LBB1_11-.Ltmp11, $2  }
0x9d: {  	_ =	sdelay $0x2  }
0x9e: {  	s4 =	smov.u32 s5;
	s1 =	smov.u32 s19  }
.LBB1_8:
.Ltmp12:
0x9f: {  	_ = 	snop;
	(pc) =	sbr.rel .LBB1_11-.Ltmp12, $2  }
0xa0: {  	_ =	sdelay $0x2  }
0xa1: {  	s4 =	smov.u32 s5;
	s1 =	smov.u32 s19;
	v7 =	vmovc v1;
	v8 =	vmov v2;
	v6 =	vmov v3;
	v5 =	vmov v4  }
.LBB1_15:
0xa2: {  	_ =	sfence.sel $0x180000  }
0xa3: {  	s0 =	simm.s32 $0x1;
	[bflag:$0x0] =	sbarrier.arrive $0xFFFF  }
0xa4: {  	s30 =	simm.s32 $0x2;
	[sflag:s0] =	ssyncpa.u1 $0x1  }
0xa5: {  	[sflag:s30] =	ssyncpa.u1 $0x1  }
0xa6: {  	_ =	strace $0x90000047  }
0xa7: {  	s31 =	stileid.u32;
	[bflag:$0x2] =	sbarrier.arrive $0xFFFF  }
0xa8: {  	p0 =	sne.s32 s31, $0x0;
	s0 =	rddreg [dreg:$0x2]  }
0xa9: {  	s0 =	sadd.s32 @!p0 $0x100000, s0  }
0xaa: {  	[sflag:s0] =	ssyncadd.tile.s32 @!p0 $0x1;
	_ =	shalt  }
.Lfunc_end1:
_tile_overlayer_lowered:
.L_overlay_start_2:
0xab: {  	(tag) =	ssettag $0x2  }
0xac: {  	s0 =	rddreg [dreg:$0x0];
	s2 =	stileid.u32  }
0xad: {  	s1 =	rddreg [dreg:$0x1];
	p0 =	sne.s32 s2, $0x0  }
0xae: {  	s3 =	rddreg [dreg:$0x2];
	[bflag:$0x3] =	sbarrier.arrive $0xFFFF;
	s2 =	simm.s32 @!p0 $0x1C01  }
0xaf: {  	[timem:s3], [sflag:s2] =	dma.local @!p0 [hbm:s0], s1  }
0xb0: {  	s0 =	simm.s32 @!p0 $0x1  }
0xb1: {  	_ =	swait.ge @!p0 [sflag:s0], s1  }
0xb2: {  	s1 =	ssub.s32 @!p0 $0x0, s1;
	[sflag:s0] =	ssyncset.done @!p0 $0x0  }
0xb3: {  	[sflag:s0] =	ssyncadd.s32 @!p0 s1  }
0xb4: {  	[bflag:$0x3] =	sbarrier.arrive $0xFFFF  }
0xb5: {  	_ =	shalt  }

</sc_bundles>
